<compile_context>
chip_gen: v7x
topology: tpu7x:2x2x1
jax: 0.10.2.dev20260603
libtpu: 0.0.44.dev20260713+nightly
codegen_flags: <defaults>
</compile_context>

<pallas_src>
import functools

import jax
import jax.numpy as jnp
from jax import lax
from jax.experimental import pallas as pl
from jax.experimental.pallas import tpu as pltpu
from jax.experimental.pallas import tpu_sc as plsc

_NS = 16
_L = 16


def _encode(x, condition_tensors):
    B = x.shape[0]
    C = condition_tensors.shape[0]
    b_per_w = B // _NS
    mesh = plsc.VectorSubcoreMesh(
        core_axis_name="c", subcore_axis_name="s", num_cores=1
    )

    @functools.partial(
        pl.kernel,
        out_type=jax.ShapeDtypeStruct((B,), jnp.int32),
        mesh=mesh,
        compiler_params=pltpu.CompilerParams(needs_layout_passes=False),
        scratch_types=[
            pltpu.VMEM((C,), jnp.int32),
            pltpu.VMEM((C,), jnp.int32),
            pltpu.VMEM((b_per_w,), jnp.int32),
            pltpu.VMEM((b_per_w,), jnp.int32),
            pltpu.SemaphoreType.DMA,
            pltpu.SemaphoreType.DMA,
            pltpu.SemaphoreType.DMA,
            pltpu.SemaphoreType.DMA,
        ],
    )
    def enc(x_hbm, cond_hbm, out_hbm, cond_v, inv_v, x_v, out_v,
            sem_c, sem_x0, sem_x1, sem_o):
        half = b_per_w // 2
        base = lax.axis_index("s") * b_per_w
        cond_cp = pltpu.async_copy(cond_hbm, cond_v, sem_c)
        x0_cp = pltpu.async_copy(
            x_hbm.at[pl.ds(base, half)], x_v.at[pl.ds(0, half)], sem_x0)
        x1_cp = pltpu.async_copy(
            x_hbm.at[pl.ds(base + half, half)], x_v.at[pl.ds(half, half)],
            sem_x1)
        lane = lax.iota(jnp.int32, _L)
        cond_cp.wait()
        for k in range(C // _L):
            vals = cond_v[pl.ds(k * _L, _L)]
            plsc.store_scatter(inv_v, [vals], lane + k * _L)

        x0_cp.wait()

        @plsc.parallel_loop(0, half, _L, unroll=4)
        def _gather0(i):
            ids = x_v[pl.ds(i, _L)]
            out_v[pl.ds(i, _L)] = plsc.load_gather(inv_v, [ids])

        o0_cp = pltpu.async_copy(
            out_v.at[pl.ds(0, half)], out_hbm.at[pl.ds(base, half)], sem_o)
        x1_cp.wait()

        @plsc.parallel_loop(half, b_per_w, _L, unroll=4)
        def _gather1(i):
            ids = x_v[pl.ds(i, _L)]
            out_v[pl.ds(i, _L)] = plsc.load_gather(inv_v, [ids])

        o1_cp = pltpu.async_copy(
            out_v.at[pl.ds(half, half)], out_hbm.at[pl.ds(base + half, half)],
            sem_o)
        o0_cp.wait()
        o1_cp.wait()

    return enc(x, condition_tensors)


def kernel(x, condition_tensors):
    B = x.shape[0]
    return _encode(x, condition_tensors).reshape(B, 1, 1)

# --- scband reference (transcript-rebuilt; emitter-appended) ---
"""Pipeline reference for scband-string-label-encoder-18923625906219 (READ-ONLY COPY).

The authoritative reference and input builder live on the scoring server;
editing this copy changes nothing except your own understanding.
"""

import jax, jax.numpy as jnp
import numpy as np

BATCH = 16384
NUM_CLASSES = 128


def _build_condition_tensors():
    # Mirrors StringLabelEncoder.__init__: strings -> fixed-width bytes -> int32 view.
    classes = [chr(i) for i in range(NUM_CLASSES)]
    max_word_length = max(len(c) for c in classes)
    while max_word_length % 4 != 0:
        max_word_length += 1
    arr = np.array(sorted(set(classes)), dtype='|S' + str(max_word_length)).view(np.int32)
    # Single-byte little-endian classes: condition_tensors[i] == i, shape [NUM_CLASSES]
    return jnp.asarray(arr, dtype=jnp.int32)


def setup_inputs(seed: int = 0) -> dict:
    key = jax.random.key(seed)
    x = jax.random.randint(key, (BATCH,), 0, NUM_CLASSES, dtype=jnp.int32)
    return {"x": x, "condition_tensors": _build_condition_tensors()}


def reference(x, condition_tensors):
    # forward: x.view(-1,1); for each v, nonzero positions of (condition_tensors == v).
    # Each value matches exactly one class row, so the stacked result is [B, 1, 1].
    x2 = x.reshape(-1, 1)                         # [B, 1] int32
    eq = (condition_tensors[None, :] == x2)       # [B, C] bool (gather-like compare)
    idx = jnp.argmax(eq, axis=1)                  # position of the single nonzero per row
    return idx.reshape(-1, 1, 1).astype(jnp.int32)

if __name__ == "__main__":
    import jax
    _d = setup_inputs()
    print(jax.jit(kernel)(*tuple(_d.values())))

</pallas_src>

<mosaic_0001>
#map = affine_map<(d0, d1) -> (0)>
module attributes {stable_mosaic.version = 14 : i64} {
  func.func @enc(%arg0: i32, %arg1: i32, %arg2: memref<16384xi32, #tpu.memory_space<hbm>>, %arg3: memref<128xi32, #tpu.memory_space<hbm>>, %arg4: memref<16384xi32, #tpu.memory_space<hbm>>, %arg5: memref<128xi32, #tpu.memory_space<vmem>>, %arg6: memref<128xi32, #tpu.memory_space<vmem>>, %arg7: memref<1024xi32, #tpu.memory_space<vmem>>, %arg8: memref<1024xi32, #tpu.memory_space<vmem>>, %arg9: memref<!tpu.dma_semaphore, #tpu.memory_space<semaphore_mem>>, %arg10: memref<!tpu.dma_semaphore, #tpu.memory_space<semaphore_mem>>, %arg11: memref<!tpu.dma_semaphore, #tpu.memory_space<semaphore_mem>>, %arg12: memref<!tpu.dma_semaphore, #tpu.memory_space<semaphore_mem>>) attributes {dimension_semantics = [#tpu.dimension_semantics<core_parallel>, #tpu.dimension_semantics<subcore_parallel>], iteration_bounds = array<i64: 1, 16>, scalar_prefetch = 0 : i64, scratch_operands = 8 : i64, tpu.core_type = #tpu.core_type<sc_vector_subcore>, window_params = [{transform_indices = #map}, {transform_indices = #map}, {transform_indices = #map}]} {
    %mul3A = arith.constant 1024 : i32
    %mul3A_0 = arith.muli %arg1, %mul3A : i32
    tpu.enqueue_dma source(%arg3 : memref<128xi32, #tpu.memory_space<hbm>>) target(%arg5 : memref<128xi32, #tpu.memory_space<vmem>>) target_semaphore(%arg9 : memref<!tpu.dma_semaphore, #tpu.memory_space<semaphore_mem>>)
    %dma_start3A = arith.constant 0 : i32
    %dma_start3A_1 = tpu.memref_slice %arg7[%dma_start3A] : memref<1024xi32, #tpu.memory_space<vmem>> -> memref<512xi32, #tpu.memory_space<vmem>>
    %dma_start3A_2 = tpu.memref_slice %arg2[%mul3A_0] : memref<16384xi32, #tpu.memory_space<hbm>> -> memref<512xi32, #tpu.memory_space<hbm>>
    %dma_start3A_3 = arith.constant 0 : i32
    %dma_start3A_4 = tpu.memref_slice %arg7[%dma_start3A_3] : memref<1024xi32, #tpu.memory_space<vmem>> -> memref<512xi32, #tpu.memory_space<vmem>>
    %dma_start3A_5 = tpu.memref_slice %arg2[%mul3A_0] : memref<16384xi32, #tpu.memory_space<hbm>> -> memref<512xi32, #tpu.memory_space<hbm>>
    tpu.enqueue_dma source(%dma_start3A_5 : memref<512xi32, #tpu.memory_space<hbm>>) target(%dma_start3A_4 : memref<512xi32, #tpu.memory_space<vmem>>) target_semaphore(%arg10 : memref<!tpu.dma_semaphore, #tpu.memory_space<semaphore_mem>>)
    %add3A = arith.constant 512 : i32
    %add3A_6 = arith.addi %mul3A_0, %add3A : i32
    %dma_start3A_7 = arith.constant 512 : i32
    %dma_start3A_8 = tpu.memref_slice %arg7[%dma_start3A_7] : memref<1024xi32, #tpu.memory_space<vmem>> -> memref<512xi32, #tpu.memory_space<vmem>>
    %dma_start3A_9 = tpu.memref_slice %arg2[%add3A_6] : memref<16384xi32, #tpu.memory_space<hbm>> -> memref<512xi32, #tpu.memory_space<hbm>>
    %dma_start3A_10 = arith.constant 512 : i32
    %dma_start3A_11 = tpu.memref_slice %arg7[%dma_start3A_10] : memref<1024xi32, #tpu.memory_space<vmem>> -> memref<512xi32, #tpu.memory_space<vmem>>
    %dma_start3A_12 = tpu.memref_slice %arg2[%add3A_6] : memref<16384xi32, #tpu.memory_space<hbm>> -> memref<512xi32, #tpu.memory_space<hbm>>
    tpu.enqueue_dma source(%dma_start3A_12 : memref<512xi32, #tpu.memory_space<hbm>>) target(%dma_start3A_11 : memref<512xi32, #tpu.memory_space<vmem>>) target_semaphore(%arg11 : memref<!tpu.dma_semaphore, #tpu.memory_space<semaphore_mem>>)
    %iota3A = tpu.iota {dimensions = array<i32: 0>} : vector<16xi32>
    tpu.wait_dma2 semaphore(%arg9 : memref<!tpu.dma_semaphore, #tpu.memory_space<semaphore_mem>>) src(%arg3 : memref<128xi32, #tpu.memory_space<hbm>>) dst(%arg5 : memref<128xi32, #tpu.memory_space<vmem>>)
    %get3A = arith.constant 0 : index
    %get3A_13 = tpu.vector_load %arg5[%get3A] {strides = array<i32>} : memref<128xi32, #tpu.memory_space<vmem>>, vector<16xi32>,
    %add3A_14 = arith.constant 0 : i32
    %add3A_15 = vector.broadcast %add3A_14 : i32 to vector<16xi32>
    %add3A_16 = arith.addi %iota3A, %add3A_15 : vector<16xi32>
    tpu.vector_store_idx %arg6[%get3A_13], %add3A_16 : memref<128xi32, #tpu.memory_space<vmem>>[vector<16xi32>], vector<16xi32>,
    %get3A_17 = arith.constant 16 : index
    %get3A_18 = tpu.vector_load %arg5[%get3A_17] {strides = array<i32>} : memref<128xi32, #tpu.memory_space<vmem>>, vector<16xi32>,
    %add3A_19 = arith.constant 16 : i32
    %add3A_20 = vector.broadcast %add3A_19 : i32 to vector<16xi32>
    %add3A_21 = arith.addi %iota3A, %add3A_20 : vector<16xi32>
    tpu.vector_store_idx %arg6[%get3A_18], %add3A_21 : memref<128xi32, #tpu.memory_space<vmem>>[vector<16xi32>], vector<16xi32>,
    %get3A_22 = arith.constant 32 : index
    %get3A_23 = tpu.vector_load %arg5[%get3A_22] {strides = array<i32>} : memref<128xi32, #tpu.memory_space<vmem>>, vector<16xi32>,
    %add3A_24 = arith.constant 32 : i32
    %add3A_25 = vector.broadcast %add3A_24 : i32 to vector<16xi32>
    %add3A_26 = arith.addi %iota3A, %add3A_25 : vector<16xi32>
    tpu.vector_store_idx %arg6[%get3A_23], %add3A_26 : memref<128xi32, #tpu.memory_space<vmem>>[vector<16xi32>], vector<16xi32>,
    %get3A_27 = arith.constant 48 : index
    %get3A_28 = tpu.vector_load %arg5[%get3A_27] {strides = array<i32>} : memref<128xi32, #tpu.memory_space<vmem>>, vector<16xi32>,
    %add3A_29 = arith.constant 48 : i32
    %add3A_30 = vector.broadcast %add3A_29 : i32 to vector<16xi32>
    %add3A_31 = arith.addi %iota3A, %add3A_30 : vector<16xi32>
    tpu.vector_store_idx %arg6[%get3A_28], %add3A_31 : memref<128xi32, #tpu.memory_space<vmem>>[vector<16xi32>], vector<16xi32>,
    %get3A_32 = arith.constant 64 : index
    %get3A_33 = tpu.vector_load %arg5[%get3A_32] {strides = array<i32>} : memref<128xi32, #tpu.memory_space<vmem>>, vector<16xi32>,
    %add3A_34 = arith.constant 64 : i32
    %add3A_35 = vector.broadcast %add3A_34 : i32 to vector<16xi32>
    %add3A_36 = arith.addi %iota3A, %add3A_35 : vector<16xi32>
    tpu.vector_store_idx %arg6[%get3A_33], %add3A_36 : memref<128xi32, #tpu.memory_space<vmem>>[vector<16xi32>], vector<16xi32>,
    %get3A_37 = arith.constant 80 : index
    %get3A_38 = tpu.vector_load %arg5[%get3A_37] {strides = array<i32>} : memref<128xi32, #tpu.memory_space<vmem>>, vector<16xi32>,
    %add3A_39 = arith.constant 80 : i32
    %add3A_40 = vector.broadcast %add3A_39 : i32 to vector<16xi32>
    %add3A_41 = arith.addi %iota3A, %add3A_40 : vector<16xi32>
    tpu.vector_store_idx %arg6[%get3A_38], %add3A_41 : memref<128xi32, #tpu.memory_space<vmem>>[vector<16xi32>], vector<16xi32>,
    %get3A_42 = arith.constant 96 : index
    %get3A_43 = tpu.vector_load %arg5[%get3A_42] {strides = array<i32>} : memref<128xi32, #tpu.memory_space<vmem>>, vector<16xi32>,
    %add3A_44 = arith.constant 96 : i32
    %add3A_45 = vector.broadcast %add3A_44 : i32 to vector<16xi32>
    %add3A_46 = arith.addi %iota3A, %add3A_45 : vector<16xi32>
    tpu.vector_store_idx %arg6[%get3A_43], %add3A_46 : memref<128xi32, #tpu.memory_space<vmem>>[vector<16xi32>], vector<16xi32>,
    %get3A_47 = arith.constant 112 : index
    %get3A_48 = tpu.vector_load %arg5[%get3A_47] {strides = array<i32>} : memref<128xi32, #tpu.memory_space<vmem>>, vector<16xi32>,
    %add3A_49 = arith.constant 112 : i32
    %add3A_50 = vector.broadcast %add3A_49 : i32 to vector<16xi32>
    %add3A_51 = arith.addi %iota3A, %add3A_50 : vector<16xi32>
    tpu.vector_store_idx %arg6[%get3A_48], %add3A_51 : memref<128xi32, #tpu.memory_space<vmem>>[vector<16xi32>], vector<16xi32>,
    %dma_wait3A = arith.constant 0 : i32
    %dma_wait3A_52 = tpu.memref_slice %arg7[%dma_wait3A] : memref<1024xi32, #tpu.memory_space<vmem>> -> memref<512xi32, #tpu.memory_space<vmem>>
    %dma_wait3A_53 = tpu.memref_slice %arg2[%mul3A_0] : memref<16384xi32, #tpu.memory_space<hbm>> -> memref<512xi32, #tpu.memory_space<hbm>>
    %dma_wait3A_54 = arith.constant 0 : i32
    %dma_wait3A_55 = tpu.memref_slice %arg7[%dma_wait3A_54] : memref<1024xi32, #tpu.memory_space<vmem>> -> memref<512xi32, #tpu.memory_space<vmem>>
    %dma_wait3A_56 = tpu.memref_slice %arg2[%mul3A_0] : memref<16384xi32, #tpu.memory_space<hbm>> -> memref<512xi32, #tpu.memory_space<hbm>>
    tpu.wait_dma2 semaphore(%arg10 : memref<!tpu.dma_semaphore, #tpu.memory_space<semaphore_mem>>) src(%dma_wait3A_56 : memref<512xi32, #tpu.memory_space<hbm>>) dst(%dma_wait3A_55 : memref<512xi32, #tpu.memory_space<vmem>>)
    %parallel_loop3A = arith.constant 0 : i32
    %parallel_loop3A_57 = arith.constant 512 : i32
    %parallel_loop3A_58 = arith.constant 16 : i32
    scf.for %parallel_loop3A_94 = %parallel_loop3A to %parallel_loop3A_57 step %parallel_loop3A_58  : i32 {
      %parallel_loop3A_95 = arith.index_cast %parallel_loop3A_94 : i32 to index
      %parallel_loop3A_96 = tpu.vector_load %arg7[%parallel_loop3A_95] {strides = array<i32>} : memref<1024xi32, #tpu.memory_space<vmem>>, vector<16xi32>,
      %parallel_loop3A_97 = tpu.vector_load_idx %arg6[%parallel_loop3A_96] : memref<128xi32, #tpu.memory_space<vmem>>[vector<16xi32>], vector<16xi32>,
      %parallel_loop3A_98 = arith.index_cast %parallel_loop3A_94 : i32 to index
      %parallel_loop3A_99 = tpu.vector_load %arg8[%parallel_loop3A_98] {strides = array<i32>} : memref<1024xi32, #tpu.memory_space<vmem>>, vector<16xi32>,
      tpu.vector_store %arg8[%parallel_loop3A_98], %parallel_loop3A_97 {strides = array<i32>} : memref<1024xi32, #tpu.memory_space<vmem>>, vector<16xi32>,
    } {sc.loop_unroll_factor = 4 : i64, sc.parallel_access}
    %dma_start3A_59 = arith.constant 0 : i32
    %dma_start3A_60 = tpu.memref_slice %arg8[%dma_start3A_59] : memref<1024xi32, #tpu.memory_space<vmem>> -> memref<512xi32, #tpu.memory_space<vmem>>
    %dma_start3A_61 = tpu.memref_slice %arg4[%mul3A_0] : memref<16384xi32, #tpu.memory_space<hbm>> -> memref<512xi32, #tpu.memory_space<hbm>>
    %dma_start3A_62 = tpu.memref_slice %arg4[%mul3A_0] : memref<16384xi32, #tpu.memory_space<hbm>> -> memref<512xi32, #tpu.memory_space<hbm>>
    %dma_start3A_63 = arith.constant 0 : i32
    %dma_start3A_64 = tpu.memref_slice %arg8[%dma_start3A_63] : memref<1024xi32, #tpu.memory_space<vmem>> -> memref<512xi32, #tpu.memory_space<vmem>>
    tpu.enqueue_dma source(%dma_start3A_64 : memref<512xi32, #tpu.memory_space<vmem>>) target(%dma_start3A_62 : memref<512xi32, #tpu.memory_space<hbm>>) target_semaphore(%arg12 : memref<!tpu.dma_semaphore, #tpu.memory_space<semaphore_mem>>)
    %dma_wait3A_65 = arith.constant 512 : i32
    %dma_wait3A_66 = tpu.memref_slice %arg7[%dma_wait3A_65] : memref<1024xi32, #tpu.memory_space<vmem>> -> memref<512xi32, #tpu.memory_space<vmem>>
    %dma_wait3A_67 = tpu.memref_slice %arg2[%add3A_6] : memref<16384xi32, #tpu.memory_space<hbm>> -> memref<512xi32, #tpu.memory_space<hbm>>
    %dma_wait3A_68 = arith.constant 512 : i32
    %dma_wait3A_69 = tpu.memref_slice %arg7[%dma_wait3A_68] : memref<1024xi32, #tpu.memory_space<vmem>> -> memref<512xi32, #tpu.memory_space<vmem>>
    %dma_wait3A_70 = tpu.memref_slice %arg2[%add3A_6] : memref<16384xi32, #tpu.memory_space<hbm>> -> memref<512xi32, #tpu.memory_space<hbm>>
    tpu.wait_dma2 semaphore(%arg11 : memref<!tpu.dma_semaphore, #tpu.memory_space<semaphore_mem>>) src(%dma_wait3A_70 : memref<512xi32, #tpu.memory_space<hbm>>) dst(%dma_wait3A_69 : memref<512xi32, #tpu.memory_space<vmem>>)
    %parallel_loop3A_71 = arith.constant 512 : i32
    %parallel_loop3A_72 = arith.constant 1024 : i32
    %parallel_loop3A_73 = arith.constant 16 : i32
    scf.for %parallel_loop3A_94 = %parallel_loop3A_71 to %parallel_loop3A_72 step %parallel_loop3A_73  : i32 {
      %parallel_loop3A_95 = arith.index_cast %parallel_loop3A_94 : i32 to index
      %parallel_loop3A_96 = tpu.vector_load %arg7[%parallel_loop3A_95] {strides = array<i32>} : memref<1024xi32, #tpu.memory_space<vmem>>, vector<16xi32>,
      %parallel_loop3A_97 = tpu.vector_load_idx %arg6[%parallel_loop3A_96] : memref<128xi32, #tpu.memory_space<vmem>>[vector<16xi32>], vector<16xi32>,
      %parallel_loop3A_98 = arith.index_cast %parallel_loop3A_94 : i32 to index
      %parallel_loop3A_99 = tpu.vector_load %arg8[%parallel_loop3A_98] {strides = array<i32>} : memref<1024xi32, #tpu.memory_space<vmem>>, vector<16xi32>,
      tpu.vector_store %arg8[%parallel_loop3A_98], %parallel_loop3A_97 {strides = array<i32>} : memref<1024xi32, #tpu.memory_space<vmem>>, vector<16xi32>,
    } {sc.loop_unroll_factor = 4 : i64, sc.parallel_access}
    %add3A_74 = arith.constant 512 : i32
    %add3A_75 = arith.addi %mul3A_0, %add3A_74 : i32
    %dma_start3A_76 = arith.constant 512 : i32
    %dma_start3A_77 = tpu.memref_slice %arg8[%dma_start3A_76] : memref<1024xi32, #tpu.memory_space<vmem>> -> memref<512xi32, #tpu.memory_space<vmem>>
    %dma_start3A_78 = tpu.memref_slice %arg4[%add3A_75] : memref<16384xi32, #tpu.memory_space<hbm>> -> memref<512xi32, #tpu.memory_space<hbm>>
    %dma_start3A_79 = tpu.memref_slice %arg4[%add3A_75] : memref<16384xi32, #tpu.memory_space<hbm>> -> memref<512xi32, #tpu.memory_space<hbm>>
    %dma_start3A_80 = arith.constant 512 : i32
    %dma_start3A_81 = tpu.memref_slice %arg8[%dma_start3A_80] : memref<1024xi32, #tpu.memory_space<vmem>> -> memref<512xi32, #tpu.memory_space<vmem>>
    tpu.enqueue_dma source(%dma_start3A_81 : memref<512xi32, #tpu.memory_space<vmem>>) target(%dma_start3A_79 : memref<512xi32, #tpu.memory_space<hbm>>) target_semaphore(%arg12 : memref<!tpu.dma_semaphore, #tpu.memory_space<semaphore_mem>>)
    %dma_wait3A_82 = arith.constant 0 : i32
    %dma_wait3A_83 = tpu.memref_slice %arg8[%dma_wait3A_82] : memref<1024xi32, #tpu.memory_space<vmem>> -> memref<512xi32, #tpu.memory_space<vmem>>
    %dma_wait3A_84 = tpu.memref_slice %arg4[%mul3A_0] : memref<16384xi32, #tpu.memory_space<hbm>> -> memref<512xi32, #tpu.memory_space<hbm>>
    %dma_wait3A_85 = tpu.memref_slice %arg4[%mul3A_0] : memref<16384xi32, #tpu.memory_space<hbm>> -> memref<512xi32, #tpu.memory_space<hbm>>
    %dma_wait3A_86 = arith.constant 0 : i32
    %dma_wait3A_87 = tpu.memref_slice %arg8[%dma_wait3A_86] : memref<1024xi32, #tpu.memory_space<vmem>> -> memref<512xi32, #tpu.memory_space<vmem>>
    tpu.wait_dma2 semaphore(%arg12 : memref<!tpu.dma_semaphore, #tpu.memory_space<semaphore_mem>>) src(%dma_wait3A_87 : memref<512xi32, #tpu.memory_space<vmem>>) dst(%dma_wait3A_85 : memref<512xi32, #tpu.memory_space<hbm>>)
    %dma_wait3A_88 = arith.constant 512 : i32
    %dma_wait3A_89 = tpu.memref_slice %arg8[%dma_wait3A_88] : memref<1024xi32, #tpu.memory_space<vmem>> -> memref<512xi32, #tpu.memory_space<vmem>>
    %dma_wait3A_90 = tpu.memref_slice %arg4[%add3A_75] : memref<16384xi32, #tpu.memory_space<hbm>> -> memref<512xi32, #tpu.memory_space<hbm>>
    %dma_wait3A_91 = tpu.memref_slice %arg4[%add3A_75] : memref<16384xi32, #tpu.memory_space<hbm>> -> memref<512xi32, #tpu.memory_space<hbm>>
    %dma_wait3A_92 = arith.constant 512 : i32
    %dma_wait3A_93 = tpu.memref_slice %arg8[%dma_wait3A_92] : memref<1024xi32, #tpu.memory_space<vmem>> -> memref<512xi32, #tpu.memory_space<vmem>>
    tpu.wait_dma2 semaphore(%arg12 : memref<!tpu.dma_semaphore, #tpu.memory_space<semaphore_mem>>) src(%dma_wait3A_93 : memref<512xi32, #tpu.memory_space<vmem>>) dst(%dma_wait3A_91 : memref<512xi32, #tpu.memory_space<hbm>>)
    return
  }
}

</mosaic_0001>

<sc_bundles>
// kernel: kernel.3.cloned.1.call-start
scs
__scs_entry_jumppad:
0x0: {  	(pc) =	sbr.rel $0x88, $3  }
0x1: {  	(tag) =	ssettag $0x0;
	lr =	simm.s32 $0x1  }
0x2: {  	[smem:$0x3F9F] =	sst lr;
	_ =	strace $0xD0000000  }
0x3: {  	_ = 	snop  }
0x4: {  	_ = 	snop  }
0x5: {  	_ = 	snop  }
0x6: {  	_ = 	snop  }
0x7: {  	_ = 	snop  }
__scs_overlays_trampoline_lowered:
0x8: {  	[smem:$0x3FAE] =	sst s0  }
0x9: {  	[smem:$0x3FAF] =	sst s1  }
0xa: {  	[smem:$0x3FB0] =	sst s2  }
0xb: {  	[smem:$0x3FB1] =	sst s3  }
0xc: {  	[smem:$0x3FB2] =	sst s4  }
0xd: {  	[smem:$0x3FB3] =	sst s5  }
0xe: {  	[smem:$0x3FB4] =	sst s6  }
0xf: {  	[smem:$0x3FB5] =	sst s7  }
0x10: {  	[smem:$0x3FB6] =	sst s8  }
0x11: {  	[smem:$0x3FB7] =	sst s9;
	s0 =	simm.s32 @!p0 $0x0  }
0x12: {  	s1 =	sld [smem:$0x3F9D];
	s0 =	simm.s32 @p0 $0x1  }
0x13: {  	[smem:$0x3FB8] =	sst s0;
	s0 =	simm.s32 @!p1 $0x0  }
0x14: {  	s2 =	sld [smem:$0x3F9C];
	s0 =	simm.s32 @p1 $0x1  }
0x15: {  	[smem:$0x3FB9] =	sst s0;
	s0 =	simm.s32 @!p2 $0x0  }
0x16: {  	s3 =	sld [smem:$0x3FDB];
	s0 =	simm.s32 @p2 $0x1  }
0x17: {  	s4 =	simm.s32 $0x1BF5;
	[smem:$0x3FBB] =	sst s0  }
0x18: {  	s0 =	sld [smem:$0x3F9E];
	_ =	swait.ge [sflag:s4], $0x0  }
0x19: {  	s7 =	sld [smem:$0x3F9F]  }
0x1a: {  	s8 =	sadd.s32 $0xFFFFE003, lr  }
0x1b: {  	s9 =	sadd.s32 $0xFFFFFEF7, lr;
	s5 =	simm.s32 $0xFFFFFFFF;
	p2 =	slt.u32 s8, $0xFFFFF086  }
0x1c: {  	p1 =	slt.u32 s9, $0xF7A;
	s5 =	simm.s32 @!p2 $0x0  }
0x1d: {  	s5 =	simm.s32 @p1 $0x1;
	p0 =	seq.s32 s7, s2  }
0x1e: {  	s7 =	smul.u32 @!p0 $0xF7A, s2;
	p2 =	seq.s32 @!p0 s5, $0x0  }
0x1f: {  	s9 =	smul.u32 $0xF7A, s1;
	s8 =	simm.s32 @!p0 $0x1BF5;
	p2 =	por !p2, p0  }
0x20: {  	[sflag:s8] =	ssyncset.s32 @!p0 $0xFFFFF086;
	s6 =	sadd.s32 @!p0 s3, s7;
	s7 =	simm.s32 @!p0 $0x108  }
0x21: {  	s3 =	sadd.s32 s3, s9;
	s6 =	sadd.s32 @!p0 $0x88, s6;
	s7 =	simm.s32 @p2 $0x1082  }
0x22: {  	[simem:s7], [sflag:s8] =	dma.local @!p0 [hbm:s6], $0xF7A  }
0x23: {  	s9 =	sor.u32 $0xD0000000, s2;
	s6 =	simm.s32 $0x108;
	_ =	swait.ge @!p0 [sflag:s8], $0x0  }
0x24: {  	s3 =	sadd.s32 $0x88, s3;
	s6 =	simm.s32 @!p1 $0x1082;
	[sflag:s4] =	ssyncset.s32 $0xFFFFF086  }
0x25: {  	[simem:s6], [sflag:s4] =	dma.local [hbm:s3], $0xF7A  }
0x26: {  	[smem:$0x3F9F] =	sst s1;
	(tag) =	ssettag s2;
	_ =	strace s9  }
0x27: {  	s1 =	sld [smem:$0x3FAF]  }
0x28: {  	s2 =	sld [smem:$0x3FB0]  }
0x29: {  	s4 =	sld [smem:$0x3FB2]  }
0x2a: {  	p0 =	seq.s32 s5, $0x0;
	s5 =	sld [smem:$0x3FB3]  }
0x2b: {  	s6 =	sld [smem:$0x3FB4]  }
0x2c: {  	s7 =	sld [smem:$0x3FB5]  }
0x2d: {  	s3 =	simm.s32 $0x108;
	s8 =	sld [smem:$0x3FB6]  }
0x2e: {  	s3 =	simm.s32 @!p0 $0x1082;
	s9 =	sld [smem:$0x3FB7]  }
0x2f: {  	lr =	sadd.s32 s0, s3;
	s0 =	sld [smem:$0x3FAE]  }
0x30: {  	s3 =	sld [smem:$0x3FB1]  }
0x31: {  	[smem:$0x3FBA] =	sst s10  }
0x32: {  	s10 =	sld [smem:$0x3FB8];
	_ =	sdelay $0x3  }
0x33: {  	p0 =	seq.s32 s10, $0x1;
	s10 =	sld [smem:$0x3FBA];
	_ =	sdelay $0x3  }
0x34: {  	[smem:$0x3FBA] =	sst s10  }
0x35: {  	s10 =	sld [smem:$0x3FB9];
	_ =	sdelay $0x3  }
0x36: {  	p1 =	seq.s32 s10, $0x1;
	s10 =	sld [smem:$0x3FBA];
	_ =	sdelay $0x3  }
0x37: {  	[smem:$0x3FBA] =	sst s10  }
0x38: {  	s10 =	sld [smem:$0x3FBB]  }
0x39: {  	_ = 	snop;
	(pc) =	sbr.ind lr, $3  }
0x3a: {  	_ = 	snop  }
0x3b: {  	_ = 	snop  }
0x3c: {  	p2 =	seq.s32 s10, $0x1;
	s10 =	sld [smem:$0x3FBA]  }
0x3d: {  	_ =	shalt  }
0x3e: {  	_ =	shalt  }
0x3f: {  	_ =	shalt  }
0x40: {  	_ =	shalt  }
0x41: {  	_ =	shalt  }
0x42: {  	_ =	shalt  }
0x43: {  	_ =	shalt  }
0x44: {  	_ =	shalt  }
0x45: {  	_ =	shalt  }
0x46: {  	_ =	shalt  }
0x47: {  	_ =	shalt  }
0x48: {  	_ =	shalt  }
0x49: {  	_ =	shalt  }
0x4a: {  	_ =	shalt  }
0x4b: {  	_ =	shalt  }
0x4c: {  	_ =	shalt  }
0x4d: {  	_ =	shalt  }
0x4e: {  	_ =	shalt  }
0x4f: {  	_ =	shalt  }
0x50: {  	_ =	shalt  }
0x51: {  	_ =	shalt  }
0x52: {  	_ =	shalt  }
0x53: {  	_ =	shalt  }
0x54: {  	_ =	shalt  }
0x55: {  	_ =	shalt  }
0x56: {  	_ =	shalt  }
0x57: {  	_ =	shalt  }
0x58: {  	_ =	shalt  }
0x59: {  	_ =	shalt  }
0x5a: {  	_ =	shalt  }
0x5b: {  	_ =	shalt  }
0x5c: {  	_ =	shalt  }
0x5d: {  	_ =	shalt  }
0x5e: {  	_ =	shalt  }
0x5f: {  	_ =	shalt  }
0x60: {  	_ =	shalt  }
0x61: {  	_ =	shalt  }
0x62: {  	_ =	shalt  }
0x63: {  	_ =	shalt  }
0x64: {  	_ =	shalt  }
0x65: {  	_ =	shalt  }
0x66: {  	_ =	shalt  }
0x67: {  	_ =	shalt  }
0x68: {  	_ =	shalt  }
0x69: {  	_ =	shalt  }
0x6a: {  	_ =	shalt  }
0x6b: {  	_ =	shalt  }
0x6c: {  	_ =	shalt  }
0x6d: {  	_ =	shalt  }
0x6e: {  	_ =	shalt  }
0x6f: {  	_ =	shalt  }
0x70: {  	_ =	shalt  }
0x71: {  	_ =	shalt  }
0x72: {  	_ =	shalt  }
0x73: {  	_ =	shalt  }
0x74: {  	_ =	shalt  }
0x75: {  	_ =	shalt  }
0x76: {  	_ =	shalt  }
0x77: {  	_ =	shalt  }
0x78: {  	_ =	shalt  }
0x79: {  	_ =	shalt  }
0x7a: {  	_ =	shalt  }
0x7b: {  	_ =	shalt  }
0x7c: {  	_ =	shalt  }
0x7d: {  	_ =	shalt  }
0x7e: {  	_ =	shalt  }
0x7f: {  	_ =	shalt  }
0x80: {  	_ =	shalt  }
0x81: {  	_ =	shalt  }
0x82: {  	_ =	shalt  }
0x83: {  	_ =	shalt  }
0x84: {  	_ =	shalt  }
0x85: {  	_ =	shalt  }
0x86: {  	_ =	shalt  }
0x87: {  	_ =	shalt  }
.Lfunc_end0:
.L_simem_size_0:
called_computation_lowered:
.L_overlay_start_0:
0x88: {  	s0 =	sld [smem:$0x3FD9]  }
0x89: {  	s1 =	sld [smem:$0x3FFE];
	_ =	sdelay $0x3  }
0x8a: {  	s0 =	sadd.s32 s1, s0  }
0x8b: {  	[smem:$0x3FC6] =	sst s0  }
0x8c: {  	_ = 	snop  }
0x8d: {  	s0 =	sld [smem:$0x3FC9]  }
0x8e: {  	s17 =	sld [smem:$0x3FC8]  }
0x8f: {  	s2 =	sld [smem:$0x3FD0];
	(tm) =	ssettm $0x1  }
0x90: {  	s3 =	sld [smem:$0x3FFB];
	_ =	sdelay $0x3  }
0x91: {  	_ =	strace s3  }
0x92: {  	s3 =	sld [smem:$0x3FFC];
	_ =	sdelay $0x3  }
0x93: {  	_ =	strace s3  }
0x94: {  	s3 =	sld [smem:$0x3FFD];
	_ =	sdelay $0x3  }
0x95: {  	_ =	strace s3  }
0x96: {  	_ =	strace $0x8FFFFFFF  }
0x97: {  	s18 =	sld [smem:$0x3FDB];
	_ =	sdelay $0x1  }
0x98: {  	s4 =	simm.s32 $_scs_section_size  }
0x99: {  	s5 =	simm.s32 $_size__tile_overlayer_lowered;
	s6 =	simm.s32 $_tile_overlayer_lowered  }
0x9a: {  	s21 =	simm.s32 $0x1BFF;
	s20 =	sshll.u32 s6, $0x1;
	s3 =	sadd.s32 s4, s18  }
0x9b: {  	s7 =	simm.s32 $0x0;
	s19 =	sshll.u32 s5, $0x1;
	s5 =	sadd.s32 s20, s3  }
0x9c: {  	[timem:s7], [sflag:s21] =	dma.local [hbm:s5], s19  }
0x9d: {  	_ =	swait.ge [sflag:s21], s19  }
0x9e: {  	s4 =	ssub.s32 $0x0, s19;
	[sflag:s21] =	ssyncset.done $0x0  }
0x9f: {  	[sflag:s21] =	ssyncadd.s32 s4;
	_ =	sdelay $0x1  }
0xa0: {  	s22 =	simm.s32 $0x1B8B  }
0xa1: {  	_ =	swait.ge [sflag:s22], $0x1  }
0xa2: {  	[sflag:s22] =	ssyncset.done $0x0  }
0xa3: {  	s23 =	simm.s32 $0x1B8E;
	[sflag:s22] =	ssyncadd.s32 $0xFFFFFFFF  }
0xa4: {  	s24 =	simm.s32 $execute0_lowered;
	[smem:$0x3FD2] =	sst s23  }
0xa5: {  	s4 =	sshll.u32 s24, $0x1;
	_ =	strace $0x80000046;
	[dreg:$0x1] =	wrdreg $0xFFFFFFFF  }
0xa6: {  	s25 =	simm.s32 $_size_execute0_lowered;
	s3 =	sadd.s32 s3, s4;
	[dreg:$0x0] =	wrdreg $0x0  }
0xa7: {  	s4 =	sshll.u32 s25, $0x1;
	[dreg:$0x2] =	wrdreg s3  }
0xa8: {  	[dreg:$0x3] =	wrdreg s4  }
0xa9: {  	[dreg:$0x4] =	wrdreg $0xC0  }
0xaa: {  	_ =	task [dreg:s7], $0x5FFFF  }
0xab: {  	[dreg:$0x1] =	wrdreg $0xFFFFFFFF  }
0xac: {  	[dreg:$0x0] =	wrdreg $0x60  }
0xad: {  	[dreg:$0x2] =	wrdreg s0  }
0xae: {  	[dreg:$0x3] =	wrdreg s17  }
0xaf: {  	[dreg:$0x4] =	wrdreg s2  }
0xb0: {  	[dreg:$0x5] =	wrdreg $0x9  }
0xb1: {  	_ =	task.clear_ibuf [dreg:s7], $0x6FFFF;
	_ =	strace $0x90000046  }
0xb2: {  	s26 =	simm.s32 $0x9;
	_ =	strace $0x80000048  }
0xb3: {  	_ =	swait.ge [sflag:s26], $0x1  }
0xb4: {  	[sflag:s26] =	ssyncadd.s32 $0xFFFFFFFF  }
0xb5: {  	_ =	strace $0x90000048  }
0xb6: {  	_ =	sfence  }
0xb7: {  	s28 =	sld [smem:$0x0];
	_ =	sdelay $0x1  }
0xb8: {  	s29 =	srdreg.scid  }
0xb9: {  	s30 =	sshll.u32 s29, $0xD;
	s31 =	sshrl.u32 s29, $0x2  }
0xba: {  	s1 =	sand.u32 $0x1, s29;
	s2 =	sand.u32 $0x4000, s30;
	s0 =	sadd.s32 s31, s28  }
0xbb: {  	s1 =	sor.u32 s2, s1;
	s0 =	sshll.u32 s0, $0x11  }
0xbc: {  	s0 =	sor.u32 s0, s1  }
0xbd: {  	s0 =	sadd.s32 $0x8F2B, s0  }
0xbe: {  	[sflag:s0] =	ssyncadd.remote.s32 $0x1  }
0xbf: {  	_ =	sfence.sel $0xFFFF  }
0xc0: {  	[dreg:$0x0] =	wrdreg $0xFFFFFFFF;
	(pc) =	sbr.abs _section_cstart, $3  }
0xc1: {  	[dreg:$0x1] =	wrdreg $0xFFFFFFFF  }
0xc2: {  	_ =	task.clear_ibuf [dreg:s7], $0x2FFFF;
	_ =	strace $0x9FFFFFFF  }
0xc3: {  	(tm) =	ssettm $0x7FFFFFFF  }
tec
execute0_lowered:
.L_overlay_start_1:
0x0: {  	(tag) =	ssettag $0x1  }
0x1: {  	s5 =	rddreg [dreg:$0x0]  }
0x2: {  	s3 =	rddreg [dreg:$0x1]  }
0x3: {  	s2 =	rddreg [dreg:$0x2];
	s6 =	simm.s32 $0x0  }
0x4: {  	s1 =	stileid.u32;
	[smem:$0x7FF] =	sst s6  }
0x5: {  	s0 =	rddreg [dreg:$0x3];
	s4 =	sshll.u32 s1, $0x7;
	_ =	strace $0x80000047  }
0x6: {  	[tilespmem:s6], [sflag:$0x1] =	stream.linear.gather [hbm4b:s3+s6], $0x80, $0x38;
	[tilespmem:$0x900] =	vst v63  }
0x7: {  	s8 =	simm.s32 $0x100;
	s7 =	sadd.s32 s5, s4;
	s3 =	sor.u32 $0x40, s4  }
0x8: {  	[tilespmem:s8], [sflag:$0x2] =	stream.linear.gather [hbm4b:s7+s6], $0x200, $0x38;
	[tilespmem:$0x900] =	vst v63  }
0x9: {  	s26 =	simm.s32 $0x300;
	s28 =	simm.s32 $0x1;
	s5 =	sadd.s32 s5, s3  }
0xa: {  	[tilespmem:s26], [sflag:$0x3] =	stream.linear.gather [hbm4b:s5+s6], $0x200, $0x38;
	[tilespmem:$0x900] =	vst v63  }
0xb: {  	_ =	swait.ge [sflag:s28], $0x80  }
0xc: {  	[sflag:s28] =	ssyncset.done $0x0  }
0xd: {  	[sflag:s28] =	ssyncadd.s32 $0xFFFFFF80  }
0xe: {  	v0 =	vld [tilespmem:$0x0];
	_ =	sdelay $0x6  }
0xf: {  	v1 =	vlaneseq.u32;
	s5 =	simm.s32 $0x80  }
0x10: {  	[tilespmem:v0+s5+$0x0] =	vst.idx.msk $0xffff, v1  }
0x11: {  	v0 =	vld [tilespmem:$0x10];
	_ =	sdelay $0x6  }
0x12: {  	v2 =	vor.u32 $0x10, v1  }
0x13: {  	[tilespmem:v0+s5+$0x0] =	vst.idx.msk $0xffff, v2  }
0x14: {  	v0 =	vld [tilespmem:$0x20];
	_ =	sdelay $0x6  }
0x15: {  	v2 =	vor.u32 $0x20, v1  }
0x16: {  	[tilespmem:v0+s5+$0x0] =	vst.idx.msk $0xffff, v2  }
0x17: {  	v0 =	vld [tilespmem:$0x30];
	_ =	sdelay $0x6  }
0x18: {  	v2 =	vor.u32 $0x30, v1  }
0x19: {  	[tilespmem:v0+s5+$0x0] =	vst.idx.msk $0xffff, v2  }
0x1a: {  	v0 =	vld [tilespmem:$0x40];
	_ =	sdelay $0x6  }
0x1b: {  	v2 =	vor.u32 $0x40, v1  }
0x1c: {  	[tilespmem:v0+s5+$0x0] =	vst.idx.msk $0xffff, v2  }
0x1d: {  	v0 =	vld [tilespmem:$0x50];
	_ =	sdelay $0x6  }
0x1e: {  	v2 =	vor.u32 $0x50, v1  }
0x1f: {  	[tilespmem:v0+s5+$0x0] =	vst.idx.msk $0xffff, v2  }
0x20: {  	v0 =	vld [tilespmem:$0x60];
	_ =	sdelay $0x6  }
0x21: {  	v2 =	vor.u32 $0x60, v1  }
0x22: {  	[tilespmem:v0+s5+$0x0] =	vst.idx.msk $0xffff, v2  }
0x23: {  	v0 =	vld [tilespmem:$0x70];
	_ =	sdelay $0x6  }
0x24: {  	v1 =	vor.u32 $0x70, v1  }
0x25: {  	s29 =	simm.s32 $0x2;
	[tilespmem:v0+s5+$0x0] =	vst.idx.msk $0xffff, v1  }
0x26: {  	_ =	swait.ge [sflag:s29], $0x200  }
0x27: {  	[sflag:s29] =	ssyncset.done $0x0  }
0x28: {  	s30 =	simm.s32 $0x120;
	[sflag:s29] =	ssyncadd.s32 $0xFFFFFE00  }
0x29: {  	v0 =	vld [tilespmem:s30+$0x10];
	_ =	sdelay $0x1  }
0x2a: {  	v2 =	vld [tilespmem:s30+$0xFFFFFFE0]  }
0x2b: {  	v3 =	vld [tilespmem:s30+$0xFFFFFFF0]  }
0x2c: {  	s31 =	simm.s32 $0x160;
	v4 =	vld [tilespmem:s30+$0x0]  }
0x2d: {  	v7 =	vld [tilespmem:s31+$0x10]  }
0x2e: {  	v1 =	vld [tilespmem:s31+$0xFFFFFFF0]  }
0x2f: {  	v6 =	vld [tilespmem:s31+$0xFFFFFFE0]  }
0x30: {  	v8 =	vld.idx.msk [tilespmem:v0+s5+$0x0], $0xffff  }
0x31: {  	v0 =	vld [tilespmem:s31+$0x0]  }
0x32: {  	v5 =	vld.idx.msk [tilespmem:v2+s5+$0x0], $0xffff  }
0x33: {  	v2 =	vld.idx.msk [tilespmem:v3+s5+$0x0], $0xffff  }
0x34: {  	s6 =	simm.s32 $0x520;
	v3 =	vld.idx.msk [tilespmem:v4+s5+$0x0], $0xffff  }
0x35: {  	s7 =	simm.s32 $0x40;
	s8 =	simm.s32 $0x1A0;
	v4 =	vld.idx.msk [tilespmem:v7+s5+$0x0], $0xffff;
	[tilespmem:s6+$0x10] =	vst v8  }
.LBB2_1:
0x36: {  	v7 =	vld [tilespmem:s8+$0x10];
	s7 =	sadd.s32 $0x40, s7  }
0x37: {  	v8 =	vld [tilespmem:s8+$0xFFFFFFF0];
	p0 =	slt.u32 s7, $0x1C0;
	[tilespmem:s6+$0xFFFFFFE0] =	vst v5  }
0x38: {  	v9 =	vld [tilespmem:s8+$0x0];
	[tilespmem:s6+$0xFFFFFFF0] =	vst v2  }
0x39: {  	v10 =	vld [tilespmem:s8+$0xFFFFFFE0];
	[tilespmem:s6+$0x0] =	vst v3  }
.Ltmp0:
0x3a: {  	s6 =	sadd.s32 $0x40, s6;
	v5 =	vld.idx.msk [tilespmem:v6+s5+$0x0], $0xffff;
	(pc) =	sbr.rel @p0 .LBB2_1-.Ltmp0, $4  }
0x3b: {  	v2 =	vld.idx.msk [tilespmem:v1+s5+$0x0], $0xffff;
	[tilespmem:s6+$0x10] =	vst v4  }
0x3c: {  	v3 =	vld.idx.msk [tilespmem:v0+s5+$0x0], $0xffff;
	v1 =	vmov v8  }
0x3d: {  	v0 =	vmov v9  }
0x3e: {  	s8 =	sadd.s32 $0x40, s8;
	v4 =	vld.idx.msk [tilespmem:v7+s5+$0x0], $0xffff;
	v6 =	vmov v10  }
0x3f: {  	_ =	sdelay $0x3  }
0x40: {  	v6 =	vld.idx.msk [tilespmem:v6+s5+$0x0], $0xffff  }
0x41: {  	[tilespmem:s6+$0xFFFFFFE0] =	vst v5;
	v1 =	vld.idx.msk [tilespmem:v1+s5+$0x0], $0xffff  }
0x42: {  	v0 =	vld.idx.msk [tilespmem:v0+s5+$0x0], $0xffff;
	[tilespmem:s6+$0xFFFFFFF0] =	vst v2  }
0x43: {  	s25 =	sadd.s32 $0x40, s6;
	[tilespmem:s6+$0x0] =	vst v3  }
0x44: {  	[tilespmem:s25+$0x10] =	vst v4  }
0x45: {  	[tilespmem:s25+$0xFFFFFFE0] =	vst v6  }
0x46: {  	s4 =	sadd.s32 s2, s4;
	[tilespmem:s25+$0xFFFFFFF0] =	vst v1  }
0x47: {  	s26 =	simm.s32 $0x0;
	s28 =	simm.s32 $0x500;
	s29 =	simm.s32 $0x3;
	[tilespmem:s25+$0x0] =	vst v0  }
0x48: {  	[hbm4b:s4+s26] =	stream.linear.scatter [tilespmem:s28], [sflag:$0x4], $0x200, $0x38;
	[tilespmem:$0x900] =	vst v63  }
0x49: {  	_ =	swait.ge [sflag:s29], $0x200  }
0x4a: {  	[sflag:s29] =	ssyncset.done $0x0  }
0x4b: {  	s30 =	simm.s32 $0x330;
	[sflag:s29] =	ssyncadd.s32 $0xFFFFFE00  }
0x4c: {  	v0 =	vld [tilespmem:s30+$0x0];
	_ =	sdelay $0x1  }
0x4d: {  	v2 =	vld [tilespmem:s30+$0xFFFFFFD0]  }
0x4e: {  	v3 =	vld [tilespmem:s30+$0xFFFFFFE0]  }
0x4f: {  	s31 =	simm.s32 $0x370;
	v4 =	vld [tilespmem:s30+$0xFFFFFFF0]  }
0x50: {  	v7 =	vld [tilespmem:s31+$0x0]  }
0x51: {  	v1 =	vld [tilespmem:s31+$0xFFFFFFE0]  }
0x52: {  	s4 =	simm.s32 $0x80;
	v6 =	vld [tilespmem:s31+$0xFFFFFFD0]  }
0x53: {  	v8 =	vld.idx.msk [tilespmem:v0+s4+$0x0], $0xffff  }
0x54: {  	v0 =	vld [tilespmem:s31+$0xFFFFFFF0]  }
0x55: {  	v5 =	vld.idx.msk [tilespmem:v2+s4+$0x0], $0xffff  }
0x56: {  	v2 =	vld.idx.msk [tilespmem:v3+s4+$0x0], $0xffff  }
0x57: {  	s5 =	simm.s32 $0x730;
	v3 =	vld.idx.msk [tilespmem:v4+s4+$0x0], $0xffff  }
0x58: {  	s7 =	simm.s32 $0x3B0;
	s6 =	simm.s32 $0x240;
	v4 =	vld.idx.msk [tilespmem:v7+s4+$0x0], $0xffff;
	[tilespmem:s5+$0x0] =	vst v8  }
.LBB2_3:
0x59: {  	v7 =	vld [tilespmem:s7+$0x0];
	s6 =	sadd.s32 $0x40, s6  }
0x5a: {  	v8 =	vld [tilespmem:s7+$0xFFFFFFE0];
	p0 =	slt.u32 s6, $0x3C0;
	[tilespmem:s5+$0xFFFFFFD0] =	vst v5  }
0x5b: {  	v9 =	vld [tilespmem:s7+$0xFFFFFFF0];
	[tilespmem:s5+$0xFFFFFFE0] =	vst v2  }
0x5c: {  	v10 =	vld [tilespmem:s7+$0xFFFFFFD0];
	[tilespmem:s5+$0xFFFFFFF0] =	vst v3  }
.Ltmp1:
0x5d: {  	s5 =	sadd.s32 $0x40, s5;
	v5 =	vld.idx.msk [tilespmem:v6+s4+$0x0], $0xffff;
	(pc) =	sbr.rel @p0 .LBB2_3-.Ltmp1, $4  }
0x5e: {  	v2 =	vld.idx.msk [tilespmem:v1+s4+$0x0], $0xffff;
	[tilespmem:s5+$0x0] =	vst v4  }
0x5f: {  	v3 =	vld.idx.msk [tilespmem:v0+s4+$0x0], $0xffff;
	v1 =	vmov v8  }
0x60: {  	v0 =	vmov v9  }
0x61: {  	s7 =	sadd.s32 $0x40, s7;
	v4 =	vld.idx.msk [tilespmem:v7+s4+$0x0], $0xffff;
	v6 =	vmov v10  }
0x62: {  	_ =	sdelay $0x3  }
0x63: {  	v6 =	vld.idx.msk [tilespmem:v6+s4+$0x0], $0xffff  }
0x64: {  	[tilespmem:s5+$0xFFFFFFD0] =	vst v5;
	v1 =	vld.idx.msk [tilespmem:v1+s4+$0x0], $0xffff  }
0x65: {  	v0 =	vld.idx.msk [tilespmem:v0+s4+$0x0], $0xffff;
	[tilespmem:s5+$0xFFFFFFE0] =	vst v2  }
0x66: {  	s28 =	sadd.s32 $0x40, s5;
	[tilespmem:s5+$0xFFFFFFF0] =	vst v3  }
0x67: {  	[tilespmem:s28+$0x0] =	vst v4  }
0x68: {  	[tilespmem:s28+$0xFFFFFFD0] =	vst v6  }
0x69: {  	s2 =	sadd.s32 s2, s3;
	[tilespmem:s28+$0xFFFFFFE0] =	vst v1  }
0x6a: {  	s29 =	simm.s32 $0x0;
	s30 =	simm.s32 $0x700;
	s31 =	simm.s32 $0x4;
	[tilespmem:s28+$0xFFFFFFF0] =	vst v0  }
0x6b: {  	[hbm4b:s2+s29] =	stream.linear.scatter [tilespmem:s30], [sflag:$0x4], $0x200, $0x38;
	[tilespmem:$0x900] =	vst v63  }
0x6c: {  	_ =	swait.ge [sflag:s31], $0x200  }
0x6d: {  	[sflag:s31] =	ssyncset.done $0x0  }
0x6e: {  	[sflag:s31] =	ssyncadd.s32 $0xFFFFFE00  }
0x6f: {  	_ =	swait.ge [sflag:s31], $0x200  }
0x70: {  	[sflag:s31] =	ssyncset.done $0x0  }
0x71: {  	[sflag:s31] =	ssyncadd.s32 $0xFFFFFE00  }
0x72: {  	_ =	sfence.sel $0x180000  }
0x73: {  	[bflag:$0x0] =	sbarrier.arrive $0xFFFF  }
0x74: {  	p0 =	sne.s32 s1, $0x0;
	_ =	strace $0x90000047  }
0x75: {  	s0 =	sadd.s32 @!p0 $0x100000, s0;
	[bflag:$0x2] =	sbarrier.arrive $0xFFFF  }
0x76: {  	[sflag:s0] =	ssyncadd.tile.s32 @!p0 $0x1;
	_ =	shalt  }
.Lfunc_end2:
_tile_overlayer_lowered:
.L_overlay_start_2:
0x77: {  	(tag) =	ssettag $0x2  }
0x78: {  	s0 =	rddreg [dreg:$0x0];
	s2 =	stileid.u32  }
0x79: {  	s1 =	rddreg [dreg:$0x1];
	p0 =	sne.s32 s2, $0x0  }
0x7a: {  	s3 =	rddreg [dreg:$0x2];
	[bflag:$0x3] =	sbarrier.arrive $0xFFFF;
	s2 =	simm.s32 @!p0 $0x1C05  }
0x7b: {  	[timem:s3], [sflag:s2] =	dma.local @!p0 [hbm:s0], s1  }
0x7c: {  	s0 =	simm.s32 @!p0 $0x5  }
0x7d: {  	_ =	swait.ge @!p0 [sflag:s0], s1  }
0x7e: {  	s1 =	ssub.s32 @!p0 $0x0, s1;
	[sflag:s0] =	ssyncset.done @!p0 $0x0  }
0x7f: {  	[sflag:s0] =	ssyncadd.s32 @!p0 s1  }
0x80: {  	[bflag:$0x3] =	sbarrier.arrive $0xFFFF  }
0x81: {  	_ =	shalt  }

</sc_bundles>
